<compile_context>
chip_gen: v7x
topology: tpu7x:2x2x1
jax: 0.10.2.dev20260603
libtpu: 0.0.44.dev20260713+nightly
codegen_flags: <defaults>
</compile_context>

<pallas_src>
import jax
import jax.numpy as jnp
from jax.experimental import pallas as pl
from jax.experimental.pallas import tpu as pltpu

B, M, N, K = 4, 2048, 8192, 32
C_IN, C_MID, C_OUT = 64, 64, 128


def _mlp_body(x_ref, w0_ref, b0_ref, w1_ref, b1_ref, out_ref):
    x = x_ref[0]
    h = jnp.maximum(
        jax.lax.dot_general(w0_ref[...], x, (((1,), (0,)), ((), ())),
                            preferred_element_type=jnp.float32) + b0_ref[...], 0.0)
    h = jnp.maximum(
        jax.lax.dot_general(w1_ref[...], h, (((1,), (0,)), ((), ())),
                            preferred_element_type=jnp.float32) + b1_ref[...], 0.0)
    out_ref[0] = h


def kernel(query_xyz, support_xyz, features, query_idx, W0, b0, W1, b1):
    x = jnp.concatenate([features, jnp.transpose(support_xyz, (0, 2, 1))], axis=1)
    TN = 2048
    h = pl.pallas_call(
        _mlp_body,
        grid=(B, N // TN),
        in_specs=[
            pl.BlockSpec((1, C_IN + 3, TN), lambda b, n: (b, 0, n)),
            pl.BlockSpec((C_MID, C_IN + 3), lambda b, n: (0, 0)),
            pl.BlockSpec((C_MID, 1), lambda b, n: (0, 0)),
            pl.BlockSpec((C_OUT, C_MID), lambda b, n: (0, 0)),
            pl.BlockSpec((C_OUT, 1), lambda b, n: (0, 0)),
        ],
        out_specs=pl.BlockSpec((1, C_OUT, TN), lambda b, n: (b, 0, n)),
        out_shape=jax.ShapeDtypeStruct((B, C_OUT, N), jnp.float32),
    )(x, W0, b0[:, None], W1, b1[:, None])

    q2 = jnp.sum(query_xyz * query_xyz, axis=-1, keepdims=True)
    s2 = jnp.sum(support_xyz * support_xyz, axis=-1)[:, None, :]
    d2 = q2 - 2.0 * jnp.einsum('bmc,bnc->bmn', query_xyz, support_xyz) + s2
    _, idx = jax.lax.top_k(-d2, K)
    fj = jnp.take_along_axis(h[:, :, None, :], idx[:, None, :, :], axis=-1)
    return jnp.max(fj, axis=-1)

# --- scband reference (transcript-rebuilt; emitter-appended) ---
"""Pipeline reference for scband-delayed-agg-76690936037739 (READ-ONLY COPY).

The authoritative reference and input builder live on the scoring server;
editing this copy changes nothing except your own understanding.
"""

import jax, jax.numpy as jnp
import numpy as np

B, M, N, K = 4, 2048, 8192, 32
C_IN, C_MID, C_OUT = 64, 64, 128


def setup_inputs(seed: int = 0) -> dict:
    key = jax.random.key(seed)
    ks = jax.random.split(key, 8)
    query_xyz = jax.random.uniform(ks[0], (B, M, 3), dtype=jnp.float32)
    support_xyz = jax.random.uniform(ks[1], (B, N, 3), dtype=jnp.float32)
    features = jax.random.normal(ks[2], (B, C_IN, N), dtype=jnp.float32)
    query_idx = jax.random.randint(ks[3], (B, M), 0, N)
    # conv weights for self.convs: (C_IN+3) -> C_MID -> C_OUT (1x1 conv1d, norm_args=None)
    W0 = jax.random.normal(ks[4], (C_MID, C_IN + 3), dtype=jnp.float32) * 0.05
    b0 = jnp.zeros((C_MID,), dtype=jnp.float32)
    W1 = jax.random.normal(ks[5], (C_OUT, C_MID), dtype=jnp.float32) * 0.05
    b1 = jnp.zeros((C_OUT,), dtype=jnp.float32)
    return {"query_xyz": query_xyz, "support_xyz": support_xyz, "features": features,
            "query_idx": query_idx, "W0": W0, "b0": b0, "W1": W1, "b1": b1}


def reference(query_xyz, support_xyz, features, query_idx, W0, b0, W1, b1):
    # feature_type='dp_fj' (no 'df'), use_res=False -> skip identity branch.
    # features.shape[1] (C_IN) != support_xyz.shape[1] (N) -> convs on cat([features, xyz^T]).
    x = jnp.concatenate([features, jnp.transpose(support_xyz, (0, 2, 1))], axis=1)  # [B, C_IN+3, N]
    h = jax.nn.relu(jnp.einsum('oi,bin->bon', W0, x) + b0[None, :, None])
    h = jax.nn.relu(jnp.einsum('oi,bin->bon', W1, h) + b1[None, :, None])  # [B, C_OUT, N]
    # delayed-aggregation grouper: kNN (nsample=32) neighbor gather of post-MLP features
    q2 = jnp.sum(query_xyz * query_xyz, axis=-1, keepdims=True)            # [B, M, 1]
    s2 = jnp.sum(support_xyz * support_xyz, axis=-1)[:, None, :]           # [B, 1, N]
    d2 = q2 - 2.0 * jnp.einsum('bmc,bnc->bmn', query_xyz, support_xyz) + s2
    _, idx = jax.lax.top_k(-d2, K)                                          # [B, M, K]
    fj = jnp.take_along_axis(h[:, :, None, :], idx[:, None, :, :], axis=-1)  # [B, C_OUT, M, K]
    out = jnp.max(fj, axis=-1)                                              # [B, C_OUT, M]
    return out

if __name__ == "__main__":
    import jax
    _d = setup_inputs()
    print(jax.jit(kernel)(*tuple(_d.values())))

</pallas_src>

<mosaic_0001>
module attributes {stable_mosaic.version = 14 : i64} {
  func.func @_mlp_body(%arg0: i32, %arg1: i32, %arg2: memref<1x67x2048xf32, #tpu.memory_space<vmem>>, %arg3: memref<64x67xf32, #tpu.memory_space<vmem>>, %arg4: memref<64x1xf32, #tpu.memory_space<vmem>>, %arg5: memref<128x64xf32, #tpu.memory_space<vmem>>, %arg6: memref<128x1xf32, #tpu.memory_space<vmem>>, %arg7: memref<1x128x2048xf32, #tpu.memory_space<vmem>>) attributes {dimension_semantics = [#tpu.dimension_semantics<arbitrary>, #tpu.dimension_semantics<arbitrary>], iteration_bounds = array<i64: 4, 4>, scalar_prefetch = 0 : i64, scratch_operands = 0 : i64, tpu.core_type = #tpu.core_type<tc>, window_params = [{transform_indices = @transform_0, window_bounds = array<i64: 1, 67, 2048>}, {pipeline_mode = #tpu.pipeline_mode<synchronous>, transform_indices = @transform_1, window_bounds = array<i64: 64, 67>}, {pipeline_mode = #tpu.pipeline_mode<synchronous>, transform_indices = @transform_2, window_bounds = array<i64: 64, 1>}, {pipeline_mode = #tpu.pipeline_mode<synchronous>, transform_indices = @transform_3, window_bounds = array<i64: 128, 64>}, {pipeline_mode = #tpu.pipeline_mode<synchronous>, transform_indices = @transform_4, window_bounds = array<i64: 128, 1>}, {transform_indices = @transform_5, window_bounds = array<i64: 1, 128, 2048>}]} {
    %get3A = arith.constant 0 : index
    %get3A_0 = arith.constant 0 : index
    %get3A_1 = arith.constant 0 : index
    %get3A_2 = vector.load %arg2[%get3A, %get3A_0, %get3A_1] : memref<1x67x2048xf32, #tpu.memory_space<vmem>>, vector<1x67x2048xf32>
    %get3A_3 = vector.shape_cast %get3A_2 : vector<1x67x2048xf32> to vector<67x2048xf32>
    %get3A_4 = arith.constant 0 : index
    %get3A_5 = arith.constant 0 : index
    %get3A_6 = vector.load %arg3[%get3A_4, %get3A_5] : memref<64x67xf32, #tpu.memory_space<vmem>>, vector<64x67xf32>
    %dot_general3A = arith.constant dense<0.000000e+00> : vector<64x2048xf32>
    %dot_general3A_7 = tpu.matmul %get3A_6, %get3A_3, %dot_general3A {dimension_numbers = #tpu.dot_dimension_numbers<[1], [0], [0], [1], [0, 0, 1, 1], [], []>, transpose_lhs_hint = false} : vector<64x67xf32>, vector<67x2048xf32>, vector<64x2048xf32> -> vector<64x2048xf32>
    %get3A_8 = arith.constant 0 : index
    %get3A_9 = arith.constant 0 : index
    %get3A_10 = vector.load %arg4[%get3A_8, %get3A_9] : memref<64x1xf32, #tpu.memory_space<vmem>>, vector<64x1xf32>
    %add3A = vector.broadcast %get3A_10 : vector<64x1xf32> to vector<64x2048xf32>
    %add3A_11 = arith.addf %dot_general3A_7, %add3A : vector<64x2048xf32>
    %max3A = arith.constant 0.000000e+00 : f32
    %max3A_12 = vector.broadcast %max3A : f32 to vector<64x2048xf32>
    %max3A_13 = arith.maximumf %add3A_11, %max3A_12 : vector<64x2048xf32>
    %get3A_14 = arith.constant 0 : index
    %get3A_15 = arith.constant 0 : index
    %get3A_16 = vector.load %arg5[%get3A_14, %get3A_15] : memref<128x64xf32, #tpu.memory_space<vmem>>, vector<128x64xf32>
    %dot_general3A_17 = arith.constant dense<0.000000e+00> : vector<128x2048xf32>
    %dot_general3A_18 = tpu.matmul %get3A_16, %max3A_13, %dot_general3A_17 {dimension_numbers = #tpu.dot_dimension_numbers<[1], [0], [0], [1], [0, 0, 1, 1], [], []>, transpose_lhs_hint = false} : vector<128x64xf32>, vector<64x2048xf32>, vector<128x2048xf32> -> vector<128x2048xf32>
    %get3A_19 = arith.constant 0 : index
    %get3A_20 = arith.constant 0 : index
    %get3A_21 = vector.load %arg6[%get3A_19, %get3A_20] : memref<128x1xf32, #tpu.memory_space<vmem>>, vector<128x1xf32>
    %add3A_22 = vector.broadcast %get3A_21 : vector<128x1xf32> to vector<128x2048xf32>
    %add3A_23 = arith.addf %dot_general3A_18, %add3A_22 : vector<128x2048xf32>
    %max3A_24 = arith.constant 0.000000e+00 : f32
    %max3A_25 = vector.broadcast %max3A_24 : f32 to vector<128x2048xf32>
    %max3A_26 = arith.maximumf %add3A_23, %max3A_25 : vector<128x2048xf32>
    %swap3A = arith.constant 0 : index
    %swap3A_27 = arith.constant 0 : index
    %swap3A_28 = arith.constant 0 : index
    %swap3A_29 = vector.load %arg7[%swap3A, %swap3A_27, %swap3A_28] : memref<1x128x2048xf32, #tpu.memory_space<vmem>>, vector<1x128x2048xf32>
    %swap3A_30 = vector.shape_cast %swap3A_29 : vector<1x128x2048xf32> to vector<128x2048xf32>
    %swap3A_31 = vector.shape_cast %max3A_26 : vector<128x2048xf32> to vector<1x128x2048xf32>
    tpu.vector_store %arg7[%swap3A, %swap3A_27, %swap3A_28], %swap3A_31 {strides = array<i32>} : memref<1x128x2048xf32, #tpu.memory_space<vmem>>, vector<1x128x2048xf32>,
    return
  }
  func.func @transform_0(%arg0: i32, %arg1: i32) -> (i32, i32, i32) {
    %c0_i32 = arith.constant 0 : i32
    %c0_i32_0 = arith.constant 0 : i32
    return %arg0, %c0_i32, %arg1 : i32, i32, i32
  }
  func.func @transform_1(%arg0: i32, %arg1: i32) -> (i32, i32) {
    %c0_i32 = arith.constant 0 : i32
    %c0_i32_0 = arith.constant 0 : i32
    %c0_i32_1 = arith.constant 0 : i32
    return %c0_i32, %c0_i32_0 : i32, i32
  }
  func.func @transform_2(%arg0: i32, %arg1: i32) -> (i32, i32) {
    %c0_i32 = arith.constant 0 : i32
    %c0_i32_0 = arith.constant 0 : i32
    %c0_i32_1 = arith.constant 0 : i32
    return %c0_i32, %c0_i32_0 : i32, i32
  }
  func.func @transform_3(%arg0: i32, %arg1: i32) -> (i32, i32) {
    %c0_i32 = arith.constant 0 : i32
    %c0_i32_0 = arith.constant 0 : i32
    %c0_i32_1 = arith.constant 0 : i32
    return %c0_i32, %c0_i32_0 : i32, i32
  }
  func.func @transform_4(%arg0: i32, %arg1: i32) -> (i32, i32) {
    %c0_i32 = arith.constant 0 : i32
    %c0_i32_0 = arith.constant 0 : i32
    %c0_i32_1 = arith.constant 0 : i32
    return %c0_i32, %c0_i32_0 : i32, i32
  }
  func.func @transform_5(%arg0: i32, %arg1: i32) -> (i32, i32, i32) {
    %c0_i32 = arith.constant 0 : i32
    %c0_i32_0 = arith.constant 0 : i32
    return %arg0, %c0_i32, %arg1 : i32, i32, i32
  }
}

</mosaic_0001>

<sc_bundles>
// kernel: sparse-core-data-format-call.cloned.1.call-start
scs
called_computation_lowered:
.L_overlay_start_0:
0x0: {  	s1 =	sld [smem:$0x3FD9]  }
0x1: {  	s2 =	sld [smem:$0x3FFE];
	_ =	sdelay $0x1  }
0x2: {  	s3 =	srdreg.scid  }
0x3: {  	s0 =	sand.u32 $0x1, s3  }
0x4: {  	s17 =	sshll.u32 s0, $0xA;
	s1 =	sadd.s32 s2, s1  }
0x5: {  	s1 =	sadd.s32 s1, s17  }
0x6: {  	[smem:$0x3FC1] =	sst s1  }
0x7: {  	_ = 	snop  }
0x8: {  	(tm) =	ssettm $0x1  }
0x9: {  	s18 =	sld [smem:$0x3FFB];
	_ =	sdelay $0x3  }
0xa: {  	_ =	strace s18  }
0xb: {  	s1 =	sld [smem:$0x3FFC];
	_ =	sdelay $0x3  }
0xc: {  	_ =	strace s1  }
0xd: {  	s1 =	sld [smem:$0x3FFD];
	_ =	sdelay $0x3  }
0xe: {  	_ =	strace s1  }
0xf: {  	_ =	strace $0x8FFFFFFF  }
0x10: {  	s19 =	sld [smem:$0x3FDB];
	_ =	sdelay $0x1  }
0x11: {  	s20 =	simm.s32 $_scs_section_size  }
0x12: {  	s4 =	simm.s32 $_size__tile_overlayer_lowered;
	s5 =	simm.s32 $_tile_overlayer_lowered  }
0x13: {  	s23 =	simm.s32 $0x1BFF;
	s22 =	sshll.u32 s5, $0x1;
	s1 =	sadd.s32 s20, s19  }
0x14: {  	s6 =	simm.s32 $0x0;
	s21 =	sshll.u32 s4, $0x1;
	s4 =	sadd.s32 s22, s1  }
0x15: {  	[timem:s6], [sflag:s23] =	dma.local [hbm:s4], s21  }
0x16: {  	_ =	swait.ge [sflag:s23], s21  }
0x17: {  	s2 =	ssub.s32 $0x0, s21;
	[sflag:s23] =	ssyncset.done $0x0  }
0x18: {  	[sflag:s23] =	ssyncadd.s32 s2;
	_ =	sdelay $0x1  }
0x19: {  	s24 =	simm.s32 $0x1B8B  }
0x1a: {  	_ =	swait.ge [sflag:s24], $0x1  }
0x1b: {  	[sflag:s24] =	ssyncset.done $0x0  }
0x1c: {  	s26 =	simm.s32 $0x1B8E;
	s25 =	sld [smem:$0x3FFE];
	[sflag:s24] =	ssyncadd.s32 $0xFFFFFFFF  }
0x1d: {  	s27 =	simm.s32 $execute0_lowered;
	[smem:$0x3FD2] =	sst s26  }
0x1e: {  	s4 =	sshll.u32 s27, $0x1;
	_ =	strace $0x80000046;
	[dreg:$0x1] =	wrdreg $0xFFFFFFFF  }
0x1f: {  	s28 =	simm.s32 $_size_execute0_lowered;
	s1 =	sadd.s32 s1, s4;
	[dreg:$0x0] =	wrdreg $0x0  }
0x20: {  	s4 =	sshll.u32 s28, $0x1;
	[dreg:$0x2] =	wrdreg s1  }
0x21: {  	[dreg:$0x3] =	wrdreg s4  }
0x22: {  	[dreg:$0x4] =	wrdreg $0xC0  }
0x23: {  	_ =	task [dreg:s6], $0x5FFFF  }
0x24: {  	[dreg:$0x1] =	wrdreg $0xFFFFFFFF  }
0x25: {  	[dreg:$0x0] =	wrdreg $0x60  }
0x26: {  	[dreg:$0x2] =	wrdreg s25  }
0x27: {  	[dreg:$0x3] =	wrdreg $0x9  }
0x28: {  	_ =	task.clear_ibuf [dreg:s6], $0x4FFFF;
	_ =	strace $0x90000046  }
0x29: {  	s29 =	simm.s32 $0x9;
	_ =	strace $0x80000048  }
0x2a: {  	_ =	swait.ge [sflag:s29], $0x1  }
0x2b: {  	[sflag:s29] =	ssyncadd.s32 $0xFFFFFFFF  }
0x2c: {  	_ =	strace $0x90000048  }
0x2d: {  	_ =	sfence  }
0x2e: {  	s30 =	sld [smem:$0x0];
	_ =	sdelay $0x2  }
0x2f: {  	s31 =	sshll.u32 s3, $0xD;
	s3 =	sshrl.u32 s3, $0x2  }
0x30: {  	s2 =	sand.u32 $0x4000, s31;
	s1 =	sadd.s32 s3, s30  }
0x31: {  	s0 =	sor.u32 s2, s0;
	s1 =	sshll.u32 s1, $0x11  }
0x32: {  	s0 =	sor.u32 s1, s0  }
0x33: {  	s0 =	sadd.s32 $0x8F2B, s0  }
0x34: {  	[sflag:s0] =	ssyncadd.remote.s32 $0x1  }
0x35: {  	_ =	sfence.sel $0xFFFF  }
0x36: {  	[dreg:$0x0] =	wrdreg $0xFFFFFFFF;
	(pc) =	sbr.abs _section_cstart, $3  }
0x37: {  	[dreg:$0x1] =	wrdreg $0xFFFFFFFF  }
0x38: {  	_ =	task.clear_ibuf [dreg:s6], $0x2FFFF;
	_ =	strace $0x9FFFFFFF  }
0x39: {  	(tm) =	ssettm $0x7FFFFFFF  }
tec
execute0_lowered:
.L_overlay_start_1:
0x0: {  	(tag) =	ssettag $0x1  }
0x1: {  	s0 =	stileid.u32  }
0x2: {  	s1 =	srdreg.scid;
	s3 =	rddreg [dreg:$0x0];
	s7 =	simm.s32 $0x1  }
0x3: {  	s6 =	simm.s32 $0x1;
	s2 =	sshll.u32 s0, $0x5;
	s1 =	sshll.u32 s1, $0x9  }
0x4: {  	s31 =	simm.s32 $0x2;
	s16 =	simm.s32 $0x0;
	s1 =	sor.u32 s2, s1  }
0x5: {  	s9 =	simm.s32 $0x4000;
	s14 =	simm.s32 $0x0;
	s2 =	sand.u32 $0x380, s1  }
0x6: {  	s15 =	simm.s32 $0x0;
	s10 =	simm.s32 $0x0;
	s5 =	ssub.s32 $0x800, s2  }
0x7: {  	s13 =	simm.s32 $0x0;
	s1 =	rddreg [dreg:$0x1];
	s4 =	sand.u32 $0x380, s5  }
.Ltmp0:
0x8: {  	_ =	strace $0x80000047;
	p0 =	sne.s32 s4, $0x0;
	(pc) =	sbr.rel .LBB1_1-.Ltmp0, $4  }
0x9: {  	[sflag:s6] =	ssyncpa.u1 $0x0;
	s8 =	sshrl.u32 s5, $0xA;
	s7 =	simm.s32 @!p0 $0x0  }
0xa: {  	s11 =	smov.u32 s2;
	s5 =	sand.u32 $0x3, s0;
	s7 =	sadd.s32 s7, s8  }
0xb: {  	[sflag:s31] =	ssyncpa.u1 $0x0;
	s4 =	sadd.s32 $0x800000, s3;
	s7 =	sshll.u32 s7, $0x6  }
0xc: {  	s12 =	smov.u32 s5;
	p0 =	por $0x0, $0x0;
	s8 =	sor.u32 $0x1, s7  }
.LBB1_4:
0xd: {  	v5 =	vld [tilespmem:s19+$0xFFFFFFD0]  }
0xe: {  	[tilespmem:s20+$0x2040 ss:$0x81] =	vst.msk $0xffff, v1;
	v58 =	vld [tilespmem:s19+$0xFFFFFFE0]  }
0xf: {  	[tilespmem:s20+$0x2850 ss:$0x81] =	vst.msk $0xffff, v2;
	v59 =	vld [tilespmem:s19+$0xFFFFFFF0]  }
0x10: {  	s21 =	sshra.s32 s21, $0x2;
	[tilespmem:s20+$0x3060 ss:$0x81] =	vst.msk $0xffff, v3;
	v60 =	vld [tilespmem:s19+$0x0]  }
0x11: {  	[tilespmem:s20+$0x0 ss:$0x81] =	vst.msk $0xffff, v0;
	v61 =	vld [tilespmem:s19+$0x10];
	s18 =	sadd.s32 s21, s18  }
0x12: {  	s26 =	sshll.u32 s16, $0xB;
	v62 =	vld [tilespmem:s19+$0x20];
	[tilespmem:s18+$0x3870 ss:$0x81] =	vst.msk $0xffff, v4  }
0x13: {  	s27 =	sand.u32 $0x78, s14;
	s22 =	sshll.u32 s14, $0x3;
	v63 =	vld [tilespmem:s19+$0xFFFFFFC0];
	s29 =	sshll.u32 s16, $0x7;
	[tilespmem:s18+$0x810 ss:$0x81] =	vst.msk $0xffff, v5  }
0x14: {  	s15 =	sshll.u32 s15, $0x15;
	s20 =	sand.u32 $0xFFC000, s26;
	s28 =	sand.u32 $0xFFFC00, s22;
	[tilespmem:s18+$0x1020 ss:$0x81] =	vst.msk $0xffff, v58  }
0x15: {  	s31 =	sand.u32 $0x7, s14;
	s22 =	sand.u32 $0x400, s22;
	s19 =	sadd.s32 s28, s20;
	[tilespmem:s18+$0x1830 ss:$0x81] =	vst.msk $0xffff, v59  }
0x16: {  	s16 =	sand.u32 $0x380, s29;
	s30 =	sor.u32 s27, s22;
	s19 =	sshrl.u32 s19, $0x3;
	[tilespmem:s18+$0x2040 ss:$0x81] =	vst.msk $0xffff, v60  }
0x17: {  	s15 =	sadd.s32 s4, s15;
	s16 =	sor.u32 s16, s30;
	s19 =	sand.u32 $0x1FFF00, s19;
	[tilespmem:s18+$0x2850 ss:$0x81] =	vst.msk $0xffff, v61  }
0x18: {  	s14 =	sshll.u32 s31, $0x12;
	s16 =	sshrl.u32 s16, $0x3;
	[tilespmem:s18+$0x3060 ss:$0x81] =	vst.msk $0xffff, v62;
	s15 =	sadd.s32 s19, s15  }
0x19: {  	s14 =	sor.u32 $0x400, s14;
	[tilespmem:s18+$0x0 ss:$0x81] =	vst.msk $0xffff, v63;
	s15 =	sadd.s32 s16, s15  }
0x1a: {  	[hbm4b:s15+s14] =	stream.strided.scatter [tilespmem:s17], [sflag:$0x2], $0x4000, s9, s14, $0x20;
	[tilespmem:$0x10100] =	vst v63  }
.LBB1_5:
0x1b: {  	s17 =	sadd.s32 $0x80, s10  }
0x1c: {  	s14 =	sadd.s32 $0x400, s11;
	s18 =	smov.u32 s11;
	p2 =	sgt.s32 s17, $0x1FFF  }
0x1d: {  	s18 =	smov.u32 @p2 s14  }
0x1e: {  	s20 =	smov.u32 s12;
	s14 =	sadd.s32 $0x4, s12;
	p3 =	sgt.s32 s18, $0x7FF  }
0x1f: {  	s20 =	smov.u32 @p3 s14  }
0x20: {  	s17 =	simm.s32 @p2 $0x0;
	p2 =	sgt.s32 s20, $0x3  }
0x21: {  	p1 =	slt.u32 s13, $0x2;
	s20 =	smov.u32 @p2 s5;
	p2 =	sne.s32 s13, s8  }
.Ltmp1:
0x22: {  	s19 =	simm.s32 @!p1 $0x2;
	(pc) =	sbr.rel @!p2 .LBB1_6-.Ltmp1, $4  }
0x23: {  	s16 =	smov.u32 s10;
	s15 =	smov.u32 s12;
	_ =	swait.ge @!p1 [sflag:s19], $0x4000  }
0x24: {  	p0 =	por !p0, !p0;
	[sflag:s19] =	ssyncset.done @!p1 $0x0;
	s10 =	smov.u32 s17  }
0x25: {  	s18 =	smov.u32 @p3 s2;
	s14 =	smov.u32 s11;
	[sflag:s19] =	ssyncadd.s32 @!p1 $0xFFFFC000  }
0x26: {  	s11 =	smov.u32 s18;
	s13 =	sadd.s32 $0x1, s13;
	s12 =	smov.u32 s20  }
.LBB1_1:
0x27: {  	p1 =	sge.u32 s13, s7;
	s31 =	sadd.s32 $0xFFFFFFFF, s13  }
0x28: {  	s17 =	sxor.u32 @!p1 $0xFFFFFFFF, s13;
	s18 =	sand.u32 @!p1 $0x78, s10;
	s19 =	sshll.u32 @!p1 s11, $0xD  }
0x29: {  	s20 =	sshll.u32 @!p1 s11, $0x7;
	s21 =	sshll.u32 @!p1 s10, $0x3;
	s17 =	sshll.u32 @!p1 s17, $0xE  }
0x2a: {  	s19 =	sand.u32 @!p1 $0xFF0000, s19;
	s20 =	sand.u32 @!p1 $0x380, s20;
	s17 =	sand.u32 @!p1 $0x4000, s17  }
0x2b: {  	s19 =	sadd.s32 @!p1 s19, s21;
	s21 =	sand.u32 @!p1 $0x1C00, s21;
	s18 =	sor.u32 @!p1 s20, s18  }
0x2c: {  	s20 =	sshll.u32 @!p1 s12, $0x15;
	s18 =	sor.u32 @!p1 s21, s18;
	s19 =	sshrl.u32 @!p1 s19, $0x3  }
0x2d: {  	s20 =	sadd.s32 @!p1 s3, s20;
	s21 =	sand.u32 @!p1 $0x7, s10;
	s19 =	sand.u32 @!p1 $0x1FFC00, s19  }
0x2e: {  	s18 =	sshrl.u32 @!p1 s18, $0x3;
	s19 =	sadd.s32 @!p1 s19, s20;
	s20 =	sshll.u32 @!p1 s21, $0x12  }
0x2f: {  	s18 =	sadd.s32 @!p1 s18, s19;
	s19 =	sor.u32 @!p1 $0x400, s20;
	s20 =	simm.s32 @!p1 $0x10000  }
0x30: {  	[tilespmem:s17], [sflag:$0x1] =	stream.strided.gather @!p1 [hbm4b:s18+s19], $0x4000, s20, s19, $0x38;
	[tilespmem:$0x10100] =	vst v63  }
0x31: {  	p1 =	sge.u32 s31, s7  }
.Ltmp2:
0x32: {  	_ = 	snop;
	(pc) =	sbr.rel @p1 .LBB1_5-.Ltmp2, $1  }
0x33: {  	_ =	sdelay $0x3  }
0x34: {  	s17 =	simm.s32 $0x1  }
0x35: {  	_ =	swait.ge [sflag:s6], $0x4000;
	s17 =	simm.s32 @!p0 $0x0  }
0x36: {  	[sflag:s6] =	ssyncset.done $0x0;
	s18 =	sshll.u32 s17, $0xE  }
0x37: {  	[sflag:s6] =	ssyncadd.s32 $0xFFFFC000;
	s19 =	sor.u32 $0x40, s18  }
0x38: {  	s17 =	smul.u32 $0x10200, s17;
	v0 =	vld [tilespmem:s19+$0x30]  }
0x39: {  	v3 =	vld [tilespmem:s19+$0xFFFFFFD0]  }
0x3a: {  	s17 =	sshrl.u32 s17, $0x2;
	v4 =	vld [tilespmem:s19+$0xFFFFFFE0]  }
0x3b: {  	v5 =	vld [tilespmem:s19+$0xFFFFFFF0];
	s18 =	sor.u32 $0x8000, s17  }
0x3c: {  	s31 =	sand.u32 $0x1, s13;
	v1 =	vld [tilespmem:s19+$0x0];
	s20 =	sadd.s32 $0x0, s18  }
0x3d: {  	v2 =	vld [tilespmem:s19+$0x10];
	s17 =	smul.u32 $0x10200, s31;
	[tilespmem:s20+$0x3870 ss:$0x81] =	vst.msk $0xffff, v0  }
0x3e: {  	[tilespmem:s20+$0x810 ss:$0x81] =	vst.msk $0xffff, v3;
	v3 =	vld [tilespmem:s19+$0x20]  }
0x3f: {  	s17 =	sshrl.u32 s17, $0x2;
	v0 =	vld [tilespmem:s19+$0xFFFFFFC0];
	[tilespmem:s20+$0x1020 ss:$0x81] =	vst.msk $0xffff, v4;
	s19 =	sadd.s32 $0x80, s19  }
0x40: {  	s21 =	simm.s32 $0x4;
	s22 =	simm.s32 $0x8;
	s17 =	sor.u32 $0x8000, s17;
	[tilespmem:s20+$0x1830 ss:$0x81] =	vst.msk $0xffff, v5;
	v4 =	vld [tilespmem:s19+$0x30]  }
.LBB1_3:
0x41: {  	p1 =	sne.s32 s22, $0x1FC;
	v5 =	vld [tilespmem:s19+$0xFFFFFFD0];
	[tilespmem:s20+$0x2040 ss:$0x81] =	vst.msk $0xffff, v1  }
0x42: {  	v6 =	vld [tilespmem:s19+$0xFFFFFFE0];
	[tilespmem:s20+$0x2850 ss:$0x81] =	vst.msk $0xffff, v2  }
0x43: {  	s23 =	sshra.s32 s21, $0x2;
	s21 =	smov.u32 s22;
	v7 =	vld [tilespmem:s19+$0xFFFFFFF0];
	[tilespmem:s20+$0x3060 ss:$0x81] =	vst.msk $0xffff, v3  }
.Ltmp3:
0x44: {  	v1 =	vld [tilespmem:s19+$0x0];
	[tilespmem:s20+$0x0 ss:$0x81] =	vst.msk $0xffff, v0;
	s20 =	sadd.s32 s23, s18;
	(pc) =	sbr.rel @p1 .LBB1_3-.Ltmp3, $4  }
0x45: {  	v2 =	vld [tilespmem:s19+$0x10];
	[tilespmem:s20+$0x3870 ss:$0x81] =	vst.msk $0xffff, v4  }
0x46: {  	[tilespmem:s20+$0x810 ss:$0x81] =	vst.msk $0xffff, v5;
	v3 =	vld [tilespmem:s19+$0x20]  }
0x47: {  	v0 =	vld [tilespmem:s19+$0xFFFFFFC0];
	[tilespmem:s20+$0x1020 ss:$0x81] =	vst.msk $0xffff, v6;
	s19 =	sadd.s32 $0x80, s19  }
0x48: {  	s22 =	sadd.s32 $0x4, s22;
	v4 =	vld [tilespmem:s19+$0x30];
	[tilespmem:s20+$0x1830 ss:$0x81] =	vst.msk $0xffff, v7  }
.Ltmp4:
0x49: {  	_ = 	snop;
	(pc) =	sbr.rel .LBB1_4-.Ltmp4, $1  }
0x4a: {  	_ =	sdelay $0x3  }
.LBB1_6:
0x4b: {  	_ =	sfence.sel $0x180000  }
0x4c: {  	s2 =	simm.s32 $0x1;
	[bflag:$0x0] =	sbarrier.arrive $0xFFFF  }
0x4d: {  	s31 =	simm.s32 $0x2;
	[sflag:s2] =	ssyncpa.u1 $0x1  }
0x4e: {  	[sflag:s31] =	ssyncpa.u1 $0x1  }
0x4f: {  	p0 =	sne.s32 s0, $0x0;
	_ =	strace $0x90000047  }
0x50: {  	s0 =	sadd.s32 @!p0 $0x100000, s1;
	[bflag:$0x2] =	sbarrier.arrive $0xFFFF  }
0x51: {  	[sflag:s0] =	ssyncadd.tile.s32 @!p0 $0x1;
	_ =	shalt  }
.Lfunc_end1:
_tile_overlayer_lowered:
.L_overlay_start_2:
0x52: {  	(tag) =	ssettag $0x2  }
0x53: {  	s0 =	rddreg [dreg:$0x0];
	s2 =	stileid.u32  }
0x54: {  	s1 =	rddreg [dreg:$0x1];
	p0 =	sne.s32 s2, $0x0  }
0x55: {  	s3 =	rddreg [dreg:$0x2];
	[bflag:$0x3] =	sbarrier.arrive $0xFFFF;
	s2 =	simm.s32 @!p0 $0x1C01  }
0x56: {  	[timem:s3], [sflag:s2] =	dma.local @!p0 [hbm:s0], s1  }
0x57: {  	s0 =	simm.s32 @!p0 $0x1  }
0x58: {  	_ =	swait.ge @!p0 [sflag:s0], s1  }
0x59: {  	s1 =	ssub.s32 @!p0 $0x0, s1;
	[sflag:s0] =	ssyncset.done @!p0 $0x0  }
0x5a: {  	[sflag:s0] =	ssyncadd.s32 @!p0 s1  }
0x5b: {  	[bflag:$0x3] =	sbarrier.arrive $0xFFFF  }
0x5c: {  	_ =	shalt  }

</sc_bundles>
